<compile_context>
chip_gen: v7x
topology: tpu7x:2x2x1
jax: 0.10.2.dev20260603
libtpu: 0.0.44.dev20260713+nightly
codegen_flags: <defaults>
</compile_context>

<pallas_src>
import jax
import jax.numpy as jnp
from jax import lax
from jax.experimental import pallas as pl
from jax.experimental.pallas import tpu as pltpu
from jax.experimental.pallas import tpu_sc as plsc

NUM_LABELS = 1000
NUM_WEIGHTS = 256
EMB_DIM = 64
BATCH = 4096
IMG_DIM = 1024
OUT_DIM = EMB_DIM + IMG_DIM
TOTAL_ROWS = NUM_WEIGHTS + BATCH
LANE = 128

_SC_INFO = plsc.get_sparse_core_info()
_NW = _SC_INFO.num_cores * _SC_INFO.num_subcores
_B_PER_W = BATCH // _NW

CHUNK = 1024
NCHUNK = BATCH // CHUNK


def _sc_gather_body(table_hbm, idx_hbm, out_hbm, idx_v, rows_v, sem):
    wid = lax.axis_index("s") * _SC_INFO.num_cores + lax.axis_index("c")
    base = wid * _B_PER_W
    pltpu.sync_copy(idx_hbm.at[pl.ds(base, _B_PER_W)], idx_v)
    pltpu.async_copy(table_hbm.at[idx_v], rows_v, sem).wait()
    pltpu.sync_copy(rows_v, out_hbm.at[pl.ds(base, _B_PER_W)])


def _sc_gather(table128, labels):
    mesh = plsc.VectorSubcoreMesh(core_axis_name="c", subcore_axis_name="s")
    return pl.kernel(
        _sc_gather_body,
        mesh=mesh,
        out_type=jax.ShapeDtypeStruct((BATCH, LANE), jnp.float32),
        scratch_types=[
            pltpu.VMEM((_B_PER_W,), jnp.int32),
            pltpu.VMEM((_B_PER_W, LANE), jnp.float32),
            pltpu.SemaphoreType.DMA,
        ],
    )(table128, labels)


def _tc_body(enc_hbm, img_hbm, w_hbm, out_hbm,
             ib0, ib1, lb0, lb1, ob0, ob1, tb, wv,
             isem0, isem1, lsem0, lsem1, osem0, osem1, tsem, wsem):
    ibufs, lbufs, obufs = [ib0, ib1], [lb0, lb1], [ob0, ob1]
    isems, lsems, osems = [isem0, isem1], [lsem0, lsem1], [osem0, osem1]

    def start_in(i, sl):
        ic = pltpu.make_async_copy(
            img_hbm.at[pl.ds(i * CHUNK, CHUNK)], ibufs[sl], isems[sl])
        lc = pltpu.make_async_copy(
            enc_hbm.at[pl.ds(i * CHUNK, CHUNK)], lbufs[sl], lsems[sl])
        ic.start()
        lc.start()
        return (ic, lc)

    wcp = pltpu.make_async_copy(w_hbm, wv, wsem)
    wcp.start()

    started_in = [start_in(0, 0), start_in(1, 1)]

    wcp.wait()
    tb[...] = jnp.concatenate(
        [wv[...], jnp.zeros((NUM_WEIGHTS, IMG_DIM), jnp.float32)], axis=1)
    tcp = pltpu.make_async_copy(tb, out_hbm.at[pl.ds(0, NUM_WEIGHTS)], tsem)
    tcp.start()

    started_out = {}
    for i in range(NCHUNK):
        sl = i % 2
        for c in started_in[i]:
            c.wait()
        if i >= 2:
            started_out[i - 2].wait()
        obufs[sl][...] = jnp.concatenate(
            [lbufs[sl][:, :EMB_DIM], ibufs[sl][...]], axis=1)
        oc = pltpu.make_async_copy(
            obufs[sl],
            out_hbm.at[pl.ds(NUM_WEIGHTS + i * CHUNK, CHUNK)], osems[sl])
        oc.start()
        started_out[i] = oc
        if i + 2 < NCHUNK:
            started_in.append(start_in(i + 2, sl))

    started_out[NCHUNK - 2].wait()
    started_out[NCHUNK - 1].wait()
    tcp.wait()


@jax.jit
def kernel(images, labels, label_embs, weight_embs):
    table128 = jnp.zeros((NUM_LABELS + 1, LANE), jnp.float32)
    table128 = lax.dynamic_update_slice(table128, label_embs, (0, 0))
    encoded = _sc_gather(table128, labels)

    out = pl.pallas_call(
        _tc_body,
        in_specs=[
            pl.BlockSpec(memory_space=pl.ANY),
            pl.BlockSpec(memory_space=pl.ANY),
            pl.BlockSpec(memory_space=pl.ANY),
        ],
        out_specs=pl.BlockSpec(memory_space=pl.ANY),
        out_shape=jax.ShapeDtypeStruct((TOTAL_ROWS, OUT_DIM), jnp.float32),
        scratch_shapes=[
            pltpu.VMEM((CHUNK, IMG_DIM), jnp.float32),
            pltpu.VMEM((CHUNK, IMG_DIM), jnp.float32),
            pltpu.VMEM((CHUNK, LANE), jnp.float32),
            pltpu.VMEM((CHUNK, LANE), jnp.float32),
            pltpu.VMEM((CHUNK, OUT_DIM), jnp.float32),
            pltpu.VMEM((CHUNK, OUT_DIM), jnp.float32),
            pltpu.VMEM((NUM_WEIGHTS, OUT_DIM), jnp.float32),
            pltpu.VMEM((NUM_WEIGHTS, EMB_DIM), jnp.float32),
            pltpu.SemaphoreType.DMA,
            pltpu.SemaphoreType.DMA,
            pltpu.SemaphoreType.DMA,
            pltpu.SemaphoreType.DMA,
            pltpu.SemaphoreType.DMA,
            pltpu.SemaphoreType.DMA,
            pltpu.SemaphoreType.DMA,
            pltpu.SemaphoreType.DMA,
        ],
        compiler_params=pltpu.CompilerParams(
            vmem_limit_bytes=100 * 1024 * 1024,
        ),
    )(encoded, images, weight_embs)
    return out

# --- scband reference (transcript-rebuilt; emitter-appended) ---
"""Pipeline reference for scband-joint-transformer-io-30374008717498 (READ-ONLY COPY).

The authoritative reference and input builder live on the scoring server;
editing this copy changes nothing except your own understanding.
"""

import jax, jax.numpy as jnp
import numpy as np

NUM_LABELS = 1000
NUM_WEIGHTS = 256
EMB_DIM = 64
W_EMB_DIM = 64
BATCH = 4096
IMG_DIM = 1024


def setup_inputs(seed: int = 0) -> dict:
    key = jax.random.key(seed)
    k1, k2, k3, k4 = jax.random.split(key, 4)
    images = jax.random.normal(k1, (BATCH, IMG_DIM), dtype=jnp.float32)
    labels = jax.random.randint(k2, (BATCH,), 0, NUM_LABELS + 1, dtype=jnp.int32)
    # learned parameters
    label_embs = jax.random.normal(k3, (NUM_LABELS + 1, EMB_DIM), dtype=jnp.float32)
    weight_embs = jax.random.normal(k4, (NUM_WEIGHTS, W_EMB_DIM), dtype=jnp.float32)
    return {"images": images, "labels": labels, "label_embs": label_embs, "weight_embs": weight_embs}


def reference(images, labels, label_embs, weight_embs):
    batch_size = images.shape[0]
    images_flat = images.reshape(batch_size, -1)
    # embedding lookup: gather label embeddings by index
    encoded_labels = jnp.take(label_embs, labels, axis=0)
    sequence = jnp.concatenate([encoded_labels, images_flat], axis=-1)
    image_dim = images_flat.shape[1]
    # weight tokens: [weight_emb | zeros(image_dim)] for each of num_weights
    zero_pad = jnp.zeros((weight_embs.shape[0], image_dim), dtype=sequence.dtype)
    weight_sequence = jnp.concatenate([weight_embs, zero_pad], axis=-1)
    return jnp.concatenate([weight_sequence, sequence], axis=0)

if __name__ == "__main__":
    import jax
    _d = setup_inputs()
    print(jax.jit(kernel)(*tuple(_d.values())))

</pallas_src>

<mosaic_0001>
#map = affine_map<(d0, d1) -> (0, 0)>
#map1 = affine_map<(d0, d1) -> (0)>
module attributes {stable_mosaic.version = 14 : i64} {
  func.func @_sc_gather_body(%arg0: i32, %arg1: i32, %arg2: memref<1001x128xf32, #tpu.memory_space<hbm>>, %arg3: memref<4096xi32, #tpu.memory_space<hbm>>, %arg4: memref<4096x128xf32, #tpu.memory_space<hbm>>, %arg5: memref<128xi32, #tpu.memory_space<vmem>>, %arg6: memref<128x128xf32, #tpu.memory_space<vmem>>, %arg7: memref<!tpu.dma_semaphore, #tpu.memory_space<semaphore_mem>>) attributes {dimension_semantics = [#tpu.dimension_semantics<core_parallel>, #tpu.dimension_semantics<subcore_parallel>], iteration_bounds = array<i64: 2, 16>, scalar_prefetch = 0 : i64, scratch_operands = 3 : i64, tpu.core_type = #tpu.core_type<sc_vector_subcore>, window_params = [{transform_indices = #map}, {transform_indices = #map1}, {transform_indices = #map}]} {
    %mul3A = arith.constant 2 : i32
    %mul3A_0 = arith.muli %arg1, %mul3A : i32
    %add3A = arith.addi %mul3A_0, %arg0 : i32
    %mul3A_1 = arith.constant 128 : i32
    %mul3A_2 = arith.muli %add3A, %mul3A_1 : i32
    "tpu.region"() ({
      %run_scoped3A = tpu.sem_alloc : memref<!tpu.dma_semaphore, #tpu.memory_space<semaphore_mem>>
      %dma_start3A_7 = tpu.memref_slice %arg3[%mul3A_2] : memref<4096xi32, #tpu.memory_space<hbm>> -> memref<128xi32, #tpu.memory_space<hbm>>
      %dma_start3A_8 = tpu.memref_slice %arg3[%mul3A_2] : memref<4096xi32, #tpu.memory_space<hbm>> -> memref<128xi32, #tpu.memory_space<hbm>>
      tpu.enqueue_dma source(%dma_start3A_8 : memref<128xi32, #tpu.memory_space<hbm>>) target(%arg5 : memref<128xi32, #tpu.memory_space<vmem>>) target_semaphore(%run_scoped3A : memref<!tpu.dma_semaphore, #tpu.memory_space<semaphore_mem>>)
      %dma_wait3A_9 = tpu.memref_slice %arg3[%mul3A_2] : memref<4096xi32, #tpu.memory_space<hbm>> -> memref<128xi32, #tpu.memory_space<hbm>>
      %dma_wait3A_10 = tpu.memref_slice %arg3[%mul3A_2] : memref<4096xi32, #tpu.memory_space<hbm>> -> memref<128xi32, #tpu.memory_space<hbm>>
      tpu.wait_dma2 semaphore(%run_scoped3A : memref<!tpu.dma_semaphore, #tpu.memory_space<semaphore_mem>>) src(%dma_wait3A_10 : memref<128xi32, #tpu.memory_space<hbm>>) dst(%arg5 : memref<128xi32, #tpu.memory_space<vmem>>)
      tpu.yield
    }) : () -> ()
    %dma_start3A = arith.constant 0 : i32
    %dma_start3A_3 = arith.constant 0 : i32
    %dma_start3A_4 = tpu.memref_slice %arg2[%dma_start3A, %dma_start3A_3] : memref<1001x128xf32, #tpu.memory_space<hbm>> -> memref<1001x128xf32, #tpu.memory_space<hbm>>
    tpu.enqueue_indirect_dma source(%dma_start3A_4 : memref<1001x128xf32, #tpu.memory_space<hbm>>) target(%arg6 : memref<128x128xf32, #tpu.memory_space<vmem>>) offsets(%arg5 : memref<128xi32, #tpu.memory_space<vmem>>) semaphore(%arg7 : memref<!tpu.dma_semaphore, #tpu.memory_space<semaphore_mem>>)
    %dma_wait3A = arith.constant 0 : i32
    %dma_wait3A_5 = arith.constant 0 : i32
    %dma_wait3A_6 = tpu.memref_slice %arg2[%dma_wait3A, %dma_wait3A_5] : memref<1001x128xf32, #tpu.memory_space<hbm>> -> memref<1001x128xf32, #tpu.memory_space<hbm>>
    tpu.wait_indirect_dma semaphore(%arg7 : memref<!tpu.dma_semaphore, #tpu.memory_space<semaphore_mem>>) src(%dma_wait3A_6 : memref<1001x128xf32, #tpu.memory_space<hbm>>) dst(%arg6 : memref<128x128xf32, #tpu.memory_space<vmem>>)
    "tpu.region"() ({
      %run_scoped3A = tpu.sem_alloc : memref<!tpu.dma_semaphore, #tpu.memory_space<semaphore_mem>>
      %dma_start3A_7 = arith.constant 0 : i32
      %dma_start3A_8 = tpu.memref_slice %arg4[%mul3A_2, %dma_start3A_7] : memref<4096x128xf32, #tpu.memory_space<hbm>> -> memref<128x128xf32, #tpu.memory_space<hbm>>
      %dma_start3A_9 = arith.constant 0 : i32
      %dma_start3A_10 = tpu.memref_slice %arg4[%mul3A_2, %dma_start3A_9] : memref<4096x128xf32, #tpu.memory_space<hbm>> -> memref<128x128xf32, #tpu.memory_space<hbm>>
      tpu.enqueue_dma source(%arg6 : memref<128x128xf32, #tpu.memory_space<vmem>>) target(%dma_start3A_10 : memref<128x128xf32, #tpu.memory_space<hbm>>) target_semaphore(%run_scoped3A : memref<!tpu.dma_semaphore, #tpu.memory_space<semaphore_mem>>)
      %dma_wait3A_11 = arith.constant 0 : i32
      %dma_wait3A_12 = tpu.memref_slice %arg4[%mul3A_2, %dma_wait3A_11] : memref<4096x128xf32, #tpu.memory_space<hbm>> -> memref<128x128xf32, #tpu.memory_space<hbm>>
      %dma_wait3A_13 = arith.constant 0 : i32
      %dma_wait3A_14 = tpu.memref_slice %arg4[%mul3A_2, %dma_wait3A_13] : memref<4096x128xf32, #tpu.memory_space<hbm>> -> memref<128x128xf32, #tpu.memory_space<hbm>>
      tpu.wait_dma2 semaphore(%run_scoped3A : memref<!tpu.dma_semaphore, #tpu.memory_space<semaphore_mem>>) src(%arg6 : memref<128x128xf32, #tpu.memory_space<vmem>>) dst(%dma_wait3A_14 : memref<128x128xf32, #tpu.memory_space<hbm>>)
      tpu.yield
    }) : () -> ()
    return
  }
}

module attributes {stable_mosaic.version = 14 : i64} {
  func.func @_tc_body(%arg0: memref<4096x128xf32, #tpu.memory_space<any>>, %arg1: memref<4096x1024xf32, #tpu.memory_space<any>>, %arg2: memref<256x64xf32, #tpu.memory_space<any>>, %arg3: memref<4352x1088xf32, #tpu.memory_space<any>>, %arg4: memref<1024x1024xf32, #tpu.memory_space<vmem>>, %arg5: memref<1024x1024xf32, #tpu.memory_space<vmem>>, %arg6: memref<1024x128xf32, #tpu.memory_space<vmem>>, %arg7: memref<1024x128xf32, #tpu.memory_space<vmem>>, %arg8: memref<1024x1088xf32, #tpu.memory_space<vmem>>, %arg9: memref<1024x1088xf32, #tpu.memory_space<vmem>>, %arg10: memref<256x1088xf32, #tpu.memory_space<vmem>>, %arg11: memref<256x64xf32, #tpu.memory_space<vmem>>, %arg12: memref<!tpu.dma_semaphore, #tpu.memory_space<semaphore_mem>>, %arg13: memref<!tpu.dma_semaphore, #tpu.memory_space<semaphore_mem>>, %arg14: memref<!tpu.dma_semaphore, #tpu.memory_space<semaphore_mem>>, %arg15: memref<!tpu.dma_semaphore, #tpu.memory_space<semaphore_mem>>, %arg16: memref<!tpu.dma_semaphore, #tpu.memory_space<semaphore_mem>>, %arg17: memref<!tpu.dma_semaphore, #tpu.memory_space<semaphore_mem>>, %arg18: memref<!tpu.dma_semaphore, #tpu.memory_space<semaphore_mem>>, %arg19: memref<!tpu.dma_semaphore, #tpu.memory_space<semaphore_mem>>) attributes {dimension_semantics = [], scalar_prefetch = 0 : i64, scratch_operands = 16 : i64, tpu.core_type = #tpu.core_type<tc>} {
    tpu.enqueue_dma source(%arg2 : memref<256x64xf32, #tpu.memory_space<any>>) target(%arg11 : memref<256x64xf32, #tpu.memory_space<vmem>>) target_semaphore(%arg19 : memref<!tpu.dma_semaphore, #tpu.memory_space<semaphore_mem>>)
    %dma_start3A = arith.constant 0 : i32
    %dma_start3A_0 = arith.constant 0 : i32
    %dma_start3A_1 = tpu.memref_slice %arg1[%dma_start3A, %dma_start3A_0] : memref<4096x1024xf32, #tpu.memory_space<any>> -> memref<1024x1024xf32, #tpu.memory_space<any>>
    tpu.enqueue_dma source(%dma_start3A_1 : memref<1024x1024xf32, #tpu.memory_space<any>>) target(%arg4 : memref<1024x1024xf32, #tpu.memory_space<vmem>>) target_semaphore(%arg12 : memref<!tpu.dma_semaphore, #tpu.memory_space<semaphore_mem>>)
    %dma_start3A_2 = arith.constant 0 : i32
    %dma_start3A_3 = arith.constant 0 : i32
    %dma_start3A_4 = tpu.memref_slice %arg0[%dma_start3A_2, %dma_start3A_3] : memref<4096x128xf32, #tpu.memory_space<any>> -> memref<1024x128xf32, #tpu.memory_space<any>>
    tpu.enqueue_dma source(%dma_start3A_4 : memref<1024x128xf32, #tpu.memory_space<any>>) target(%arg6 : memref<1024x128xf32, #tpu.memory_space<vmem>>) target_semaphore(%arg14 : memref<!tpu.dma_semaphore, #tpu.memory_space<semaphore_mem>>)
    %dma_start3A_5 = arith.constant 1024 : i32
    %dma_start3A_6 = arith.constant 0 : i32
    %dma_start3A_7 = tpu.memref_slice %arg1[%dma_start3A_5, %dma_start3A_6] : memref<4096x1024xf32, #tpu.memory_space<any>> -> memref<1024x1024xf32, #tpu.memory_space<any>>
    tpu.enqueue_dma source(%dma_start3A_7 : memref<1024x1024xf32, #tpu.memory_space<any>>) target(%arg5 : memref<1024x1024xf32, #tpu.memory_space<vmem>>) target_semaphore(%arg13 : memref<!tpu.dma_semaphore, #tpu.memory_space<semaphore_mem>>)
    %dma_start3A_8 = arith.constant 1024 : i32
    %dma_start3A_9 = arith.constant 0 : i32
    %dma_start3A_10 = tpu.memref_slice %arg0[%dma_start3A_8, %dma_start3A_9] : memref<4096x128xf32, #tpu.memory_space<any>> -> memref<1024x128xf32, #tpu.memory_space<any>>
    tpu.enqueue_dma source(%dma_start3A_10 : memref<1024x128xf32, #tpu.memory_space<any>>) target(%arg7 : memref<1024x128xf32, #tpu.memory_space<vmem>>) target_semaphore(%arg15 : memref<!tpu.dma_semaphore, #tpu.memory_space<semaphore_mem>>)
    tpu.wait_dma2 semaphore(%arg19 : memref<!tpu.dma_semaphore, #tpu.memory_space<semaphore_mem>>) src(%arg2 : memref<256x64xf32, #tpu.memory_space<any>>) dst(%arg11 : memref<256x64xf32, #tpu.memory_space<vmem>>)
    %get3A = arith.constant 0 : index
    %get3A_11 = arith.constant 0 : index
    %get3A_12 = vector.load %arg11[%get3A, %get3A_11] : memref<256x64xf32, #tpu.memory_space<vmem>>, vector<256x64xf32>
    %broadcast_in_dim3A = arith.constant 0.000000e+00 : f32
    %broadcast_in_dim3A_13 = vector.broadcast %broadcast_in_dim3A : f32 to vector<256x1024xf32>
    %concatenate3A = tpu.concatenate %get3A_12, %broadcast_in_dim3A_13 in 1 : vector<256x64xf32>, vector<256x1024xf32> -> vector<256x1088xf32>
    %swap3A = arith.constant 0 : index
    %swap3A_14 = arith.constant 0 : index
    %swap3A_15 = vector.load %arg10[%swap3A, %swap3A_14] : memref<256x1088xf32, #tpu.memory_space<vmem>>, vector<256x1088xf32>
    tpu.vector_store %arg10[%swap3A, %swap3A_14], %concatenate3A {strides = array<i32>} : memref<256x1088xf32, #tpu.memory_space<vmem>>, vector<256x1088xf32>,
    %dma_start3A_16 = arith.constant 0 : i32
    %dma_start3A_17 = arith.constant 0 : i32
    %dma_start3A_18 = tpu.memref_slice %arg3[%dma_start3A_16, %dma_start3A_17] : memref<4352x1088xf32, #tpu.memory_space<any>> -> memref<256x1088xf32, #tpu.memory_space<any>>
    tpu.enqueue_dma source(%arg10 : memref<256x1088xf32, #tpu.memory_space<vmem>>) target(%dma_start3A_18 : memref<256x1088xf32, #tpu.memory_space<any>>) target_semaphore(%arg18 : memref<!tpu.dma_semaphore, #tpu.memory_space<semaphore_mem>>)
    %dma_wait3A = arith.constant 0 : i32
    %dma_wait3A_19 = arith.constant 0 : i32
    %dma_wait3A_20 = tpu.memref_slice %arg1[%dma_wait3A, %dma_wait3A_19] : memref<4096x1024xf32, #tpu.memory_space<any>> -> memref<1024x1024xf32, #tpu.memory_space<any>>
    tpu.wait_dma2 semaphore(%arg12 : memref<!tpu.dma_semaphore, #tpu.memory_space<semaphore_mem>>) src(%dma_wait3A_20 : memref<1024x1024xf32, #tpu.memory_space<any>>) dst(%arg4 : memref<1024x1024xf32, #tpu.memory_space<vmem>>)
    %dma_wait3A_21 = arith.constant 0 : i32
    %dma_wait3A_22 = arith.constant 0 : i32
    %dma_wait3A_23 = tpu.memref_slice %arg0[%dma_wait3A_21, %dma_wait3A_22] : memref<4096x128xf32, #tpu.memory_space<any>> -> memref<1024x128xf32, #tpu.memory_space<any>>
    tpu.wait_dma2 semaphore(%arg14 : memref<!tpu.dma_semaphore, #tpu.memory_space<semaphore_mem>>) src(%dma_wait3A_23 : memref<1024x128xf32, #tpu.memory_space<any>>) dst(%arg6 : memref<1024x128xf32, #tpu.memory_space<vmem>>)
    %get3A_24 = arith.constant 0 : index
    %get3A_25 = arith.constant 0 : index
    %get3A_26 = vector.load %arg6[%get3A_24, %get3A_25] : memref<1024x128xf32, #tpu.memory_space<vmem>>, vector<1024x64xf32>
    %get3A_27 = arith.constant 0 : index
    %get3A_28 = arith.constant 0 : index
    %get3A_29 = vector.load %arg4[%get3A_27, %get3A_28] : memref<1024x1024xf32, #tpu.memory_space<vmem>>, vector<1024x1024xf32>
    %concatenate3A_30 = tpu.concatenate %get3A_26, %get3A_29 in 1 : vector<1024x64xf32>, vector<1024x1024xf32> -> vector<1024x1088xf32>
    %swap3A_31 = arith.constant 0 : index
    %swap3A_32 = arith.constant 0 : index
    %swap3A_33 = vector.load %arg8[%swap3A_31, %swap3A_32] : memref<1024x1088xf32, #tpu.memory_space<vmem>>, vector<1024x1088xf32>
    tpu.vector_store %arg8[%swap3A_31, %swap3A_32], %concatenate3A_30 {strides = array<i32>} : memref<1024x1088xf32, #tpu.memory_space<vmem>>, vector<1024x1088xf32>,
    %dma_start3A_34 = arith.constant 256 : i32
    %dma_start3A_35 = arith.constant 0 : i32
    %dma_start3A_36 = tpu.memref_slice %arg3[%dma_start3A_34, %dma_start3A_35] : memref<4352x1088xf32, #tpu.memory_space<any>> -> memref<1024x1088xf32, #tpu.memory_space<any>>
    tpu.enqueue_dma source(%arg8 : memref<1024x1088xf32, #tpu.memory_space<vmem>>) target(%dma_start3A_36 : memref<1024x1088xf32, #tpu.memory_space<any>>) target_semaphore(%arg16 : memref<!tpu.dma_semaphore, #tpu.memory_space<semaphore_mem>>)
    %dma_start3A_37 = arith.constant 2048 : i32
    %dma_start3A_38 = arith.constant 0 : i32
    %dma_start3A_39 = tpu.memref_slice %arg1[%dma_start3A_37, %dma_start3A_38] : memref<4096x1024xf32, #tpu.memory_space<any>> -> memref<1024x1024xf32, #tpu.memory_space<any>>
    tpu.enqueue_dma source(%dma_start3A_39 : memref<1024x1024xf32, #tpu.memory_space<any>>) target(%arg4 : memref<1024x1024xf32, #tpu.memory_space<vmem>>) target_semaphore(%arg12 : memref<!tpu.dma_semaphore, #tpu.memory_space<semaphore_mem>>)
    %dma_start3A_40 = arith.constant 2048 : i32
    %dma_start3A_41 = arith.constant 0 : i32
    %dma_start3A_42 = tpu.memref_slice %arg0[%dma_start3A_40, %dma_start3A_41] : memref<4096x128xf32, #tpu.memory_space<any>> -> memref<1024x128xf32, #tpu.memory_space<any>>
    tpu.enqueue_dma source(%dma_start3A_42 : memref<1024x128xf32, #tpu.memory_space<any>>) target(%arg6 : memref<1024x128xf32, #tpu.memory_space<vmem>>) target_semaphore(%arg14 : memref<!tpu.dma_semaphore, #tpu.memory_space<semaphore_mem>>)
    %dma_wait3A_43 = arith.constant 1024 : i32
    %dma_wait3A_44 = arith.constant 0 : i32
    %dma_wait3A_45 = tpu.memref_slice %arg1[%dma_wait3A_43, %dma_wait3A_44] : memref<4096x1024xf32, #tpu.memory_space<any>> -> memref<1024x1024xf32, #tpu.memory_space<any>>
    tpu.wait_dma2 semaphore(%arg13 : memref<!tpu.dma_semaphore, #tpu.memory_space<semaphore_mem>>) src(%dma_wait3A_45 : memref<1024x1024xf32, #tpu.memory_space<any>>) dst(%arg5 : memref<1024x1024xf32, #tpu.memory_space<vmem>>)
    %dma_wait3A_46 = arith.constant 1024 : i32
    %dma_wait3A_47 = arith.constant 0 : i32
    %dma_wait3A_48 = tpu.memref_slice %arg0[%dma_wait3A_46, %dma_wait3A_47] : memref<4096x128xf32, #tpu.memory_space<any>> -> memref<1024x128xf32, #tpu.memory_space<any>>
    tpu.wait_dma2 semaphore(%arg15 : memref<!tpu.dma_semaphore, #tpu.memory_space<semaphore_mem>>) src(%dma_wait3A_48 : memref<1024x128xf32, #tpu.memory_space<any>>) dst(%arg7 : memref<1024x128xf32, #tpu.memory_space<vmem>>)
    %get3A_49 = arith.constant 0 : index
    %get3A_50 = arith.constant 0 : index
    %get3A_51 = vector.load %arg7[%get3A_49, %get3A_50] : memref<1024x128xf32, #tpu.memory_space<vmem>>, vector<1024x64xf32>
    %get3A_52 = arith.constant 0 : index
    %get3A_53 = arith.constant 0 : index
    %get3A_54 = vector.load %arg5[%get3A_52, %get3A_53] : memref<1024x1024xf32, #tpu.memory_space<vmem>>, vector<1024x1024xf32>
    %concatenate3A_55 = tpu.concatenate %get3A_51, %get3A_54 in 1 : vector<1024x64xf32>, vector<1024x1024xf32> -> vector<1024x1088xf32>
    %swap3A_56 = arith.constant 0 : index
    %swap3A_57 = arith.constant 0 : index
    %swap3A_58 = vector.load %arg9[%swap3A_56, %swap3A_57] : memref<1024x1088xf32, #tpu.memory_space<vmem>>, vector<1024x1088xf32>
    tpu.vector_store %arg9[%swap3A_56, %swap3A_57], %concatenate3A_55 {strides = array<i32>} : memref<1024x1088xf32, #tpu.memory_space<vmem>>, vector<1024x1088xf32>,
    %dma_start3A_59 = arith.constant 1280 : i32
    %dma_start3A_60 = arith.constant 0 : i32
    %dma_start3A_61 = tpu.memref_slice %arg3[%dma_start3A_59, %dma_start3A_60] : memref<4352x1088xf32, #tpu.memory_space<any>> -> memref<1024x1088xf32, #tpu.memory_space<any>>
    tpu.enqueue_dma source(%arg9 : memref<1024x1088xf32, #tpu.memory_space<vmem>>) target(%dma_start3A_61 : memref<1024x1088xf32, #tpu.memory_space<any>>) target_semaphore(%arg17 : memref<!tpu.dma_semaphore, #tpu.memory_space<semaphore_mem>>)
    %dma_start3A_62 = arith.constant 3072 : i32
    %dma_start3A_63 = arith.constant 0 : i32
    %dma_start3A_64 = tpu.memref_slice %arg1[%dma_start3A_62, %dma_start3A_63] : memref<4096x1024xf32, #tpu.memory_space<any>> -> memref<1024x1024xf32, #tpu.memory_space<any>>
    tpu.enqueue_dma source(%dma_start3A_64 : memref<1024x1024xf32, #tpu.memory_space<any>>) target(%arg5 : memref<1024x1024xf32, #tpu.memory_space<vmem>>) target_semaphore(%arg13 : memref<!tpu.dma_semaphore, #tpu.memory_space<semaphore_mem>>)
    %dma_start3A_65 = arith.constant 3072 : i32
    %dma_start3A_66 = arith.constant 0 : i32
    %dma_start3A_67 = tpu.memref_slice %arg0[%dma_start3A_65, %dma_start3A_66] : memref<4096x128xf32, #tpu.memory_space<any>> -> memref<1024x128xf32, #tpu.memory_space<any>>
    tpu.enqueue_dma source(%dma_start3A_67 : memref<1024x128xf32, #tpu.memory_space<any>>) target(%arg7 : memref<1024x128xf32, #tpu.memory_space<vmem>>) target_semaphore(%arg15 : memref<!tpu.dma_semaphore, #tpu.memory_space<semaphore_mem>>)
    %dma_wait3A_68 = arith.constant 2048 : i32
    %dma_wait3A_69 = arith.constant 0 : i32
    %dma_wait3A_70 = tpu.memref_slice %arg1[%dma_wait3A_68, %dma_wait3A_69] : memref<4096x1024xf32, #tpu.memory_space<any>> -> memref<1024x1024xf32, #tpu.memory_space<any>>
    tpu.wait_dma2 semaphore(%arg12 : memref<!tpu.dma_semaphore, #tpu.memory_space<semaphore_mem>>) src(%dma_wait3A_70 : memref<1024x1024xf32, #tpu.memory_space<any>>) dst(%arg4 : memref<1024x1024xf32, #tpu.memory_space<vmem>>)
    %dma_wait3A_71 = arith.constant 2048 : i32
    %dma_wait3A_72 = arith.constant 0 : i32
    %dma_wait3A_73 = tpu.memref_slice %arg0[%dma_wait3A_71, %dma_wait3A_72] : memref<4096x128xf32, #tpu.memory_space<any>> -> memref<1024x128xf32, #tpu.memory_space<any>>
    tpu.wait_dma2 semaphore(%arg14 : memref<!tpu.dma_semaphore, #tpu.memory_space<semaphore_mem>>) src(%dma_wait3A_73 : memref<1024x128xf32, #tpu.memory_space<any>>) dst(%arg6 : memref<1024x128xf32, #tpu.memory_space<vmem>>)
    %dma_wait3A_74 = arith.constant 256 : i32
    %dma_wait3A_75 = arith.constant 0 : i32
    %dma_wait3A_76 = tpu.memref_slice %arg3[%dma_wait3A_74, %dma_wait3A_75] : memref<4352x1088xf32, #tpu.memory_space<any>> -> memref<1024x1088xf32, #tpu.memory_space<any>>
    tpu.wait_dma2 semaphore(%arg16 : memref<!tpu.dma_semaphore, #tpu.memory_space<semaphore_mem>>) src(%arg8 : memref<1024x1088xf32, #tpu.memory_space<vmem>>) dst(%dma_wait3A_76 : memref<1024x1088xf32, #tpu.memory_space<any>>)
    %get3A_77 = arith.constant 0 : index
    %get3A_78 = arith.constant 0 : index
    %get3A_79 = vector.load %arg6[%get3A_77, %get3A_78] : memref<1024x128xf32, #tpu.memory_space<vmem>>, vector<1024x64xf32>
    %get3A_80 = arith.constant 0 : index
    %get3A_81 = arith.constant 0 : index
    %get3A_82 = vector.load %arg4[%get3A_80, %get3A_81] : memref<1024x1024xf32, #tpu.memory_space<vmem>>, vector<1024x1024xf32>
    %concatenate3A_83 = tpu.concatenate %get3A_79, %get3A_82 in 1 : vector<1024x64xf32>, vector<1024x1024xf32> -> vector<1024x1088xf32>
    %swap3A_84 = arith.constant 0 : index
    %swap3A_85 = arith.constant 0 : index
    %swap3A_86 = vector.load %arg8[%swap3A_84, %swap3A_85] : memref<1024x1088xf32, #tpu.memory_space<vmem>>, vector<1024x1088xf32>
    tpu.vector_store %arg8[%swap3A_84, %swap3A_85], %concatenate3A_83 {strides = array<i32>} : memref<1024x1088xf32, #tpu.memory_space<vmem>>, vector<1024x1088xf32>,
    %dma_start3A_87 = arith.constant 2304 : i32
    %dma_start3A_88 = arith.constant 0 : i32
    %dma_start3A_89 = tpu.memref_slice %arg3[%dma_start3A_87, %dma_start3A_88] : memref<4352x1088xf32, #tpu.memory_space<any>> -> memref<1024x1088xf32, #tpu.memory_space<any>>
    tpu.enqueue_dma source(%arg8 : memref<1024x1088xf32, #tpu.memory_space<vmem>>) target(%dma_start3A_89 : memref<1024x1088xf32, #tpu.memory_space<any>>) target_semaphore(%arg16 : memref<!tpu.dma_semaphore, #tpu.memory_space<semaphore_mem>>)
    %dma_wait3A_90 = arith.constant 3072 : i32
    %dma_wait3A_91 = arith.constant 0 : i32
    %dma_wait3A_92 = tpu.memref_slice %arg1[%dma_wait3A_90, %dma_wait3A_91] : memref<4096x1024xf32, #tpu.memory_space<any>> -> memref<1024x1024xf32, #tpu.memory_space<any>>
    tpu.wait_dma2 semaphore(%arg13 : memref<!tpu.dma_semaphore, #tpu.memory_space<semaphore_mem>>) src(%dma_wait3A_92 : memref<1024x1024xf32, #tpu.memory_space<any>>) dst(%arg5 : memref<1024x1024xf32, #tpu.memory_space<vmem>>)
    %dma_wait3A_93 = arith.constant 3072 : i32
    %dma_wait3A_94 = arith.constant 0 : i32
    %dma_wait3A_95 = tpu.memref_slice %arg0[%dma_wait3A_93, %dma_wait3A_94] : memref<4096x128xf32, #tpu.memory_space<any>> -> memref<1024x128xf32, #tpu.memory_space<any>>
    tpu.wait_dma2 semaphore(%arg15 : memref<!tpu.dma_semaphore, #tpu.memory_space<semaphore_mem>>) src(%dma_wait3A_95 : memref<1024x128xf32, #tpu.memory_space<any>>) dst(%arg7 : memref<1024x128xf32, #tpu.memory_space<vmem>>)
    %dma_wait3A_96 = arith.constant 1280 : i32
    %dma_wait3A_97 = arith.constant 0 : i32
    %dma_wait3A_98 = tpu.memref_slice %arg3[%dma_wait3A_96, %dma_wait3A_97] : memref<4352x1088xf32, #tpu.memory_space<any>> -> memref<1024x1088xf32, #tpu.memory_space<any>>
    tpu.wait_dma2 semaphore(%arg17 : memref<!tpu.dma_semaphore, #tpu.memory_space<semaphore_mem>>) src(%arg9 : memref<1024x1088xf32, #tpu.memory_space<vmem>>) dst(%dma_wait3A_98 : memref<1024x1088xf32, #tpu.memory_space<any>>)
    %get3A_99 = arith.constant 0 : index
    %get3A_100 = arith.constant 0 : index
    %get3A_101 = vector.load %arg7[%get3A_99, %get3A_100] : memref<1024x128xf32, #tpu.memory_space<vmem>>, vector<1024x64xf32>
    %get3A_102 = arith.constant 0 : index
    %get3A_103 = arith.constant 0 : index
    %get3A_104 = vector.load %arg5[%get3A_102, %get3A_103] : memref<1024x1024xf32, #tpu.memory_space<vmem>>, vector<1024x1024xf32>
    %concatenate3A_105 = tpu.concatenate %get3A_101, %get3A_104 in 1 : vector<1024x64xf32>, vector<1024x1024xf32> -> vector<1024x1088xf32>
    %swap3A_106 = arith.constant 0 : index
    %swap3A_107 = arith.constant 0 : index
    %swap3A_108 = vector.load %arg9[%swap3A_106, %swap3A_107] : memref<1024x1088xf32, #tpu.memory_space<vmem>>, vector<1024x1088xf32>
    tpu.vector_store %arg9[%swap3A_106, %swap3A_107], %concatenate3A_105 {strides = array<i32>} : memref<1024x1088xf32, #tpu.memory_space<vmem>>, vector<1024x1088xf32>,
    %dma_start3A_109 = arith.constant 3328 : i32
    %dma_start3A_110 = arith.constant 0 : i32
    %dma_start3A_111 = tpu.memref_slice %arg3[%dma_start3A_109, %dma_start3A_110] : memref<4352x1088xf32, #tpu.memory_space<any>> -> memref<1024x1088xf32, #tpu.memory_space<any>>
    tpu.enqueue_dma source(%arg9 : memref<1024x1088xf32, #tpu.memory_space<vmem>>) target(%dma_start3A_111 : memref<1024x1088xf32, #tpu.memory_space<any>>) target_semaphore(%arg17 : memref<!tpu.dma_semaphore, #tpu.memory_space<semaphore_mem>>)
    %dma_wait3A_112 = arith.constant 2304 : i32
    %dma_wait3A_113 = arith.constant 0 : i32
    %dma_wait3A_114 = tpu.memref_slice %arg3[%dma_wait3A_112, %dma_wait3A_113] : memref<4352x1088xf32, #tpu.memory_space<any>> -> memref<1024x1088xf32, #tpu.memory_space<any>>
    tpu.wait_dma2 semaphore(%arg16 : memref<!tpu.dma_semaphore, #tpu.memory_space<semaphore_mem>>) src(%arg8 : memref<1024x1088xf32, #tpu.memory_space<vmem>>) dst(%dma_wait3A_114 : memref<1024x1088xf32, #tpu.memory_space<any>>)
    %dma_wait3A_115 = arith.constant 3328 : i32
    %dma_wait3A_116 = arith.constant 0 : i32
    %dma_wait3A_117 = tpu.memref_slice %arg3[%dma_wait3A_115, %dma_wait3A_116] : memref<4352x1088xf32, #tpu.memory_space<any>> -> memref<1024x1088xf32, #tpu.memory_space<any>>
    tpu.wait_dma2 semaphore(%arg17 : memref<!tpu.dma_semaphore, #tpu.memory_space<semaphore_mem>>) src(%arg9 : memref<1024x1088xf32, #tpu.memory_space<vmem>>) dst(%dma_wait3A_117 : memref<1024x1088xf32, #tpu.memory_space<any>>)
    %dma_wait3A_118 = arith.constant 0 : i32
    %dma_wait3A_119 = arith.constant 0 : i32
    %dma_wait3A_120 = tpu.memref_slice %arg3[%dma_wait3A_118, %dma_wait3A_119] : memref<4352x1088xf32, #tpu.memory_space<any>> -> memref<256x1088xf32, #tpu.memory_space<any>>
    tpu.wait_dma2 semaphore(%arg18 : memref<!tpu.dma_semaphore, #tpu.memory_space<semaphore_mem>>) src(%arg10 : memref<256x1088xf32, #tpu.memory_space<vmem>>) dst(%dma_wait3A_120 : memref<256x1088xf32, #tpu.memory_space<any>>)
    return
  }
}

</mosaic_0001>

<sc_bundles>
// kernel: kernel.4.cloned.1.call-start
scs
__scs_entry_jumppad:
0x0: {  	(pc) =	sbr.rel $0x88, $3  }
0x1: {  	(tag) =	ssettag $0x0;
	lr =	simm.s32 $0x1  }
0x2: {  	[smem:$0x3F9D] =	sst lr;
	_ =	strace $0xD0000000  }
0x3: {  	_ = 	snop  }
0x4: {  	_ = 	snop  }
0x5: {  	_ = 	snop  }
0x6: {  	_ = 	snop  }
0x7: {  	_ = 	snop  }
__scs_overlays_trampoline_lowered:
0x8: {  	[smem:$0x3FAC] =	sst s0  }
0x9: {  	[smem:$0x3FAD] =	sst s1  }
0xa: {  	[smem:$0x3FAE] =	sst s2  }
0xb: {  	[smem:$0x3FAF] =	sst s3  }
0xc: {  	[smem:$0x3FB0] =	sst s4  }
0xd: {  	[smem:$0x3FB1] =	sst s5  }
0xe: {  	[smem:$0x3FB2] =	sst s6  }
0xf: {  	[smem:$0x3FB3] =	sst s7  }
0x10: {  	[smem:$0x3FB4] =	sst s8  }
0x11: {  	[smem:$0x3FB5] =	sst s9;
	s0 =	simm.s32 @!p0 $0x0  }
0x12: {  	s1 =	sld [smem:$0x3F9B];
	s0 =	simm.s32 @p0 $0x1  }
0x13: {  	[smem:$0x3FB6] =	sst s0;
	s0 =	simm.s32 @!p1 $0x0  }
0x14: {  	s2 =	sld [smem:$0x3F9A];
	s0 =	simm.s32 @p1 $0x1  }
0x15: {  	[smem:$0x3FB7] =	sst s0;
	s0 =	simm.s32 @!p2 $0x0  }
0x16: {  	s3 =	sld [smem:$0x3FDB];
	s0 =	simm.s32 @p2 $0x1  }
0x17: {  	s4 =	simm.s32 $0x1BF5;
	[smem:$0x3FB9] =	sst s0  }
0x18: {  	s0 =	sld [smem:$0x3F9C];
	_ =	swait.ge [sflag:s4], $0x0  }
0x19: {  	s7 =	sld [smem:$0x3F9D]  }
0x1a: {  	s8 =	sadd.s32 $0xFFFFE003, lr  }
0x1b: {  	s9 =	sadd.s32 $0xFFFFFEF7, lr;
	s5 =	simm.s32 $0xFFFFFFFF;
	p2 =	slt.u32 s8, $0xFFFFF086  }
0x1c: {  	p1 =	slt.u32 s9, $0xF7A;
	s5 =	simm.s32 @!p2 $0x0  }
0x1d: {  	s5 =	simm.s32 @p1 $0x1;
	p0 =	seq.s32 s7, s2  }
0x1e: {  	s7 =	smul.u32 @!p0 $0xF7A, s2;
	p2 =	seq.s32 @!p0 s5, $0x0  }
0x1f: {  	s9 =	smul.u32 $0xF7A, s1;
	s8 =	simm.s32 @!p0 $0x1BF5;
	p2 =	por !p2, p0  }
0x20: {  	[sflag:s8] =	ssyncset.s32 @!p0 $0xFFFFF086;
	s6 =	sadd.s32 @!p0 s3, s7;
	s7 =	simm.s32 @!p0 $0x108  }
0x21: {  	s3 =	sadd.s32 s3, s9;
	s6 =	sadd.s32 @!p0 $0x88, s6;
	s7 =	simm.s32 @p2 $0x1082  }
0x22: {  	[simem:s7], [sflag:s8] =	dma.local @!p0 [hbm:s6], $0xF7A  }
0x23: {  	s9 =	sor.u32 $0xD0000000, s2;
	s6 =	simm.s32 $0x108;
	_ =	swait.ge @!p0 [sflag:s8], $0x0  }
0x24: {  	s3 =	sadd.s32 $0x88, s3;
	s6 =	simm.s32 @!p1 $0x1082;
	[sflag:s4] =	ssyncset.s32 $0xFFFFF086  }
0x25: {  	[simem:s6], [sflag:s4] =	dma.local [hbm:s3], $0xF7A  }
0x26: {  	[smem:$0x3F9D] =	sst s1;
	(tag) =	ssettag s2;
	_ =	strace s9  }
0x27: {  	s1 =	sld [smem:$0x3FAD]  }
0x28: {  	s2 =	sld [smem:$0x3FAE]  }
0x29: {  	s4 =	sld [smem:$0x3FB0]  }
0x2a: {  	p0 =	seq.s32 s5, $0x0;
	s5 =	sld [smem:$0x3FB1]  }
0x2b: {  	s6 =	sld [smem:$0x3FB2]  }
0x2c: {  	s7 =	sld [smem:$0x3FB3]  }
0x2d: {  	s3 =	simm.s32 $0x108;
	s8 =	sld [smem:$0x3FB4]  }
0x2e: {  	s3 =	simm.s32 @!p0 $0x1082;
	s9 =	sld [smem:$0x3FB5]  }
0x2f: {  	lr =	sadd.s32 s0, s3;
	s0 =	sld [smem:$0x3FAC]  }
0x30: {  	s3 =	sld [smem:$0x3FAF]  }
0x31: {  	[smem:$0x3FB8] =	sst s10  }
0x32: {  	s10 =	sld [smem:$0x3FB6];
	_ =	sdelay $0x3  }
0x33: {  	p0 =	seq.s32 s10, $0x1;
	s10 =	sld [smem:$0x3FB8];
	_ =	sdelay $0x3  }
0x34: {  	[smem:$0x3FB8] =	sst s10  }
0x35: {  	s10 =	sld [smem:$0x3FB7];
	_ =	sdelay $0x3  }
0x36: {  	p1 =	seq.s32 s10, $0x1;
	s10 =	sld [smem:$0x3FB8];
	_ =	sdelay $0x3  }
0x37: {  	[smem:$0x3FB8] =	sst s10  }
0x38: {  	s10 =	sld [smem:$0x3FB9]  }
0x39: {  	_ = 	snop;
	(pc) =	sbr.ind lr, $3  }
0x3a: {  	_ = 	snop  }
0x3b: {  	_ = 	snop  }
0x3c: {  	p2 =	seq.s32 s10, $0x1;
	s10 =	sld [smem:$0x3FB8]  }
0x3d: {  	_ =	shalt  }
0x3e: {  	_ =	shalt  }
0x3f: {  	_ =	shalt  }
0x40: {  	_ =	shalt  }
0x41: {  	_ =	shalt  }
0x42: {  	_ =	shalt  }
0x43: {  	_ =	shalt  }
0x44: {  	_ =	shalt  }
0x45: {  	_ =	shalt  }
0x46: {  	_ =	shalt  }
0x47: {  	_ =	shalt  }
0x48: {  	_ =	shalt  }
0x49: {  	_ =	shalt  }
0x4a: {  	_ =	shalt  }
0x4b: {  	_ =	shalt  }
0x4c: {  	_ =	shalt  }
0x4d: {  	_ =	shalt  }
0x4e: {  	_ =	shalt  }
0x4f: {  	_ =	shalt  }
0x50: {  	_ =	shalt  }
0x51: {  	_ =	shalt  }
0x52: {  	_ =	shalt  }
0x53: {  	_ =	shalt  }
0x54: {  	_ =	shalt  }
0x55: {  	_ =	shalt  }
0x56: {  	_ =	shalt  }
0x57: {  	_ =	shalt  }
0x58: {  	_ =	shalt  }
0x59: {  	_ =	shalt  }
0x5a: {  	_ =	shalt  }
0x5b: {  	_ =	shalt  }
0x5c: {  	_ =	shalt  }
0x5d: {  	_ =	shalt  }
0x5e: {  	_ =	shalt  }
0x5f: {  	_ =	shalt  }
0x60: {  	_ =	shalt  }
0x61: {  	_ =	shalt  }
0x62: {  	_ =	shalt  }
0x63: {  	_ =	shalt  }
0x64: {  	_ =	shalt  }
0x65: {  	_ =	shalt  }
0x66: {  	_ =	shalt  }
0x67: {  	_ =	shalt  }
0x68: {  	_ =	shalt  }
0x69: {  	_ =	shalt  }
0x6a: {  	_ =	shalt  }
0x6b: {  	_ =	shalt  }
0x6c: {  	_ =	shalt  }
0x6d: {  	_ =	shalt  }
0x6e: {  	_ =	shalt  }
0x6f: {  	_ =	shalt  }
0x70: {  	_ =	shalt  }
0x71: {  	_ =	shalt  }
0x72: {  	_ =	shalt  }
0x73: {  	_ =	shalt  }
0x74: {  	_ =	shalt  }
0x75: {  	_ =	shalt  }
0x76: {  	_ =	shalt  }
0x77: {  	_ =	shalt  }
0x78: {  	_ =	shalt  }
0x79: {  	_ =	shalt  }
0x7a: {  	_ =	shalt  }
0x7b: {  	_ =	shalt  }
0x7c: {  	_ =	shalt  }
0x7d: {  	_ =	shalt  }
0x7e: {  	_ =	shalt  }
0x7f: {  	_ =	shalt  }
0x80: {  	_ =	shalt  }
0x81: {  	_ =	shalt  }
0x82: {  	_ =	shalt  }
0x83: {  	_ =	shalt  }
0x84: {  	_ =	shalt  }
0x85: {  	_ =	shalt  }
0x86: {  	_ =	shalt  }
0x87: {  	_ =	shalt  }
.Lfunc_end0:
.L_simem_size_0:
called_computation_lowered:
.L_overlay_start_0:
0x88: {  	s2 =	sld [smem:$0x3FD9]  }
0x89: {  	s3 =	sld [smem:$0x3FFE];
	_ =	sdelay $0x1  }
0x8a: {  	s1 =	srdreg.scid  }
0x8b: {  	s0 =	sand.u32 $0x1, s1  }
0x8c: {  	s17 =	sshll.u32 s0, $0xA;
	s2 =	sadd.s32 s3, s2  }
0x8d: {  	s2 =	sadd.s32 s2, s17  }
0x8e: {  	[smem:$0x3FC4] =	sst s2  }
0x8f: {  	_ = 	snop  }
0x90: {  	s2 =	sld [smem:$0x3FC8]  }
0x91: {  	s18 =	sld [smem:$0x3FD0];
	(tm) =	ssettm $0x1  }
0x92: {  	s4 =	sld [smem:$0x3FFB];
	_ =	sdelay $0x3  }
0x93: {  	_ =	strace s4  }
0x94: {  	s4 =	sld [smem:$0x3FFC];
	_ =	sdelay $0x3  }
0x95: {  	_ =	strace s4  }
0x96: {  	s4 =	sld [smem:$0x3FFD];
	_ =	sdelay $0x3  }
0x97: {  	_ =	strace s4  }
0x98: {  	_ =	strace $0x8FFFFFFF  }
0x99: {  	s19 =	sld [smem:$0x3FDB];
	_ =	sdelay $0x1  }
0x9a: {  	s5 =	simm.s32 $_scs_section_size  }
0x9b: {  	s6 =	simm.s32 $_size__tile_overlayer_lowered;
	s7 =	simm.s32 $_tile_overlayer_lowered  }
0x9c: {  	s22 =	simm.s32 $0x1BFF;
	s21 =	sshll.u32 s7, $0x1;
	s4 =	sadd.s32 s5, s19  }
0x9d: {  	s8 =	simm.s32 $0x0;
	s20 =	sshll.u32 s6, $0x1;
	s6 =	sadd.s32 s21, s4  }
0x9e: {  	[timem:s8], [sflag:s22] =	dma.local [hbm:s6], s20  }
0x9f: {  	_ =	swait.ge [sflag:s22], s20  }
0xa0: {  	s5 =	ssub.s32 $0x0, s20;
	[sflag:s22] =	ssyncset.done $0x0  }
0xa1: {  	[sflag:s22] =	ssyncadd.s32 s5;
	_ =	sdelay $0x1  }
0xa2: {  	s23 =	simm.s32 $0x1B8B  }
0xa3: {  	_ =	swait.ge [sflag:s23], $0x1  }
0xa4: {  	[sflag:s23] =	ssyncset.done $0x0  }
0xa5: {  	s25 =	simm.s32 $0x1B8E;
	s24 =	sld [smem:$0x3FFE];
	[sflag:s23] =	ssyncadd.s32 $0xFFFFFFFF  }
0xa6: {  	s26 =	simm.s32 $execute0_lowered;
	[smem:$0x3FD2] =	sst s25  }
0xa7: {  	s6 =	sshll.u32 s26, $0x1;
	_ =	strace $0x80000046;
	[dreg:$0x1] =	wrdreg $0xFFFFFFFF  }
0xa8: {  	s28 =	simm.s32 $_size_execute0_lowered;
	s4 =	sadd.s32 s4, s6;
	[dreg:$0x0] =	wrdreg $0x0  }
0xa9: {  	s6 =	sshll.u32 s28, $0x1;
	[dreg:$0x2] =	wrdreg s4  }
0xaa: {  	[dreg:$0x3] =	wrdreg s6  }
0xab: {  	[dreg:$0x4] =	wrdreg $0xC0  }
0xac: {  	_ =	task [dreg:s8], $0x5FFFF  }
0xad: {  	[dreg:$0x1] =	wrdreg $0xFFFFFFFF  }
0xae: {  	[dreg:$0x0] =	wrdreg $0x60  }
0xaf: {  	[dreg:$0x2] =	wrdreg s24  }
0xb0: {  	[dreg:$0x3] =	wrdreg s2  }
0xb1: {  	[dreg:$0x4] =	wrdreg s18  }
0xb2: {  	[dreg:$0x5] =	wrdreg $0x9  }
0xb3: {  	_ =	task.clear_ibuf [dreg:s8], $0x6FFFF;
	_ =	strace $0x90000046  }
0xb4: {  	s29 =	simm.s32 $0x9;
	_ =	strace $0x80000048  }
0xb5: {  	_ =	swait.ge [sflag:s29], $0x1  }
0xb6: {  	[sflag:s29] =	ssyncadd.s32 $0xFFFFFFFF  }
0xb7: {  	_ =	strace $0x90000048  }
0xb8: {  	_ =	sfence  }
0xb9: {  	s30 =	sld [smem:$0x0];
	_ =	sdelay $0x2  }
0xba: {  	s31 =	sshll.u32 s1, $0xD;
	s1 =	sshrl.u32 s1, $0x2  }
0xbb: {  	s3 =	sand.u32 $0x4000, s31;
	s1 =	sadd.s32 s1, s30  }
0xbc: {  	s0 =	sor.u32 s3, s0;
	s1 =	sshll.u32 s1, $0x11  }
0xbd: {  	s0 =	sor.u32 s1, s0  }
0xbe: {  	s0 =	sadd.s32 $0x8F2B, s0  }
0xbf: {  	[sflag:s0] =	ssyncadd.remote.s32 $0x1  }
0xc0: {  	_ =	sfence.sel $0xFFFF  }
0xc1: {  	[dreg:$0x0] =	wrdreg $0xFFFFFFFF;
	(pc) =	sbr.abs _section_cstart, $3  }
0xc2: {  	[dreg:$0x1] =	wrdreg $0xFFFFFFFF  }
0xc3: {  	_ =	task.clear_ibuf [dreg:s8], $0x2FFFF;
	_ =	strace $0x9FFFFFFF  }
0xc4: {  	(tm) =	ssettm $0x7FFFFFFF  }
0xc5: {  	_ =	shalt  }
tec
execute0_lowered:
.L_overlay_start_1:
0x0: {  	(tag) =	ssettag $0x1  }
0x1: {  	s5 =	rddreg [dreg:$0x0]  }
0x2: {  	s1 =	srdreg.scid;
	s3 =	rddreg [dreg:$0x1]  }
0x3: {  	s0 =	stileid.u32;
	s8 =	rddreg [dreg:$0x2];
	s6 =	sand.u32 $0x1, s1  }
0x4: {  	s2 =	simm.s32 $0x0;
	s4 =	sshll.u32 s0, $0x8;
	s7 =	sshll.u32 s6, $0x7  }
0x5: {  	[smem:$0x7FF] =	sst s2;
	s9 =	sor.u32 s7, s4  }
0x6: {  	s1 =	rddreg [dreg:$0x3];
	_ =	strace $0x80000047;
	s4 =	sshrl.u32 s9, $0x3  }
0x7: {  	s10 =	ssub.s32 $0x2, s6;
	s4 =	sadd.s32 s3, s4;
	s3 =	simm.s32 $0x2  }
0x8: {  	[tilespmem:s2], [sflag:$0x2] =	stream.linear.gather [hbm4b:s4+s2], $0x80, $0x38;
	[tilespmem:$0x4080] =	vst v63  }
0x9: {  	s5 =	sadd.s32 $0x400, s5;
	s11 =	sshrl.u32 s10, $0x1;
	_ =	swait.ge [sflag:s3], $0x80  }
0xa: {  	s6 =	simm.s32 $0x80;
	s10 =	ssub.s32 s10, s11;
	[sflag:s3] =	ssyncset.done $0x0  }
0xb: {  	s7 =	simm.s32 $0x1;
	s31 =	smax.u32 s10, $0x1;
	[sflag:s3] =	ssyncadd.s32 $0xFFFFFF80  }
0xc: {  	[tilespmem:s6], [sflag:$0x1] =	stream.indirect.gather [hbm4b:s5+s6], $0x80, s2, s6, $0xb8;
	[tilespmem:$0x4080] =	vst v63  }
0xd: {  	p0 =	sne.s32 s31, $0x1;
	_ =	swait.ge [sflag:s7], $0x4000  }
.Ltmp0:
0xe: {  	s9 =	sshll.u32 s9, $0x4;
	[sflag:s7] =	ssyncset.done $0x0;
	(pc) =	sbr.rel @!p0 .LBB2_2-.Ltmp0, $4  }
0xf: {  	s8 =	sadd.s32 s8, s9;
	[sflag:s7] =	ssyncadd.s32 $0xFFFFC000  }
0x10: {  	[hbm4b:s8+s2] =	stream.linear.scatter [tilespmem:s6], [sflag:$0x2], $0x4000, $0x38;
	[tilespmem:$0x4080] =	vst v63  }
0x11: {  	_ =	swait.ge [sflag:s3], $0x4000  }
0x12: {  	s9 =	sadd.s32 $0xFFFFFFFF, s31;
	[sflag:s3] =	ssyncset.done $0x0  }
.LBB2_1:
0x13: {  	p0 =	sne.s32 s9, $0x1;
	s9 =	sadd.s32 $0xFFFFFFFF, s9;
	[sflag:s3] =	ssyncadd.s32 $0xFFFFC000  }
0x14: {  	[tilespmem:s2], [sflag:$0x2] =	stream.linear.gather [hbm4b:s4+s2], $0x80, $0x38;
	[tilespmem:$0x4080] =	vst v63  }
0x15: {  	_ =	swait.ge [sflag:s3], $0x80  }
0x16: {  	[sflag:s3] =	ssyncset.done $0x0  }
0x17: {  	[sflag:s3] =	ssyncadd.s32 $0xFFFFFF80  }
0x18: {  	[tilespmem:s6], [sflag:$0x1] =	stream.indirect.gather [hbm4b:s5+s6], $0x80, s2, s6, $0xb8;
	[tilespmem:$0x4080] =	vst v63  }
0x19: {  	_ =	swait.ge [sflag:s7], $0x4000  }
.Ltmp1:
0x1a: {  	[sflag:s7] =	ssyncset.done $0x0;
	(pc) =	sbr.rel @p0 .LBB2_1-.Ltmp1, $4  }
0x1b: {  	[sflag:s7] =	ssyncadd.s32 $0xFFFFC000  }
0x1c: {  	[hbm4b:s8+s2] =	stream.linear.scatter [tilespmem:s6], [sflag:$0x2], $0x4000, $0x38;
	[tilespmem:$0x4080] =	vst v63  }
0x1d: {  	_ =	swait.ge [sflag:s3], $0x4000  }
0x1e: {  	[sflag:s3] =	ssyncset.done $0x0  }
.LBB2_2:
0x1f: {  	[sflag:s3] =	ssyncadd.s32 $0xFFFFC000  }
0x20: {  	_ =	sfence.sel $0x180000  }
0x21: {  	[bflag:$0x0] =	sbarrier.arrive $0xFFFF  }
0x22: {  	p0 =	sne.s32 s0, $0x0;
	_ =	strace $0x90000047  }
0x23: {  	s0 =	sadd.s32 @!p0 $0x100000, s1;
	[bflag:$0x2] =	sbarrier.arrive $0xFFFF  }
0x24: {  	[sflag:s0] =	ssyncadd.tile.s32 @!p0 $0x1;
	_ =	shalt  }
.Lfunc_end2:
_tile_overlayer_lowered:
.L_overlay_start_2:
0x25: {  	(tag) =	ssettag $0x2  }
0x26: {  	s0 =	rddreg [dreg:$0x0];
	s2 =	stileid.u32  }
0x27: {  	s1 =	rddreg [dreg:$0x1];
	p0 =	sne.s32 s2, $0x0  }
0x28: {  	s3 =	rddreg [dreg:$0x2];
	[bflag:$0x3] =	sbarrier.arrive $0xFFFF;
	s2 =	simm.s32 @!p0 $0x1C02  }
0x29: {  	[timem:s3], [sflag:s2] =	dma.local @!p0 [hbm:s0], s1  }
0x2a: {  	s0 =	simm.s32 @!p0 $0x2  }
0x2b: {  	_ =	swait.ge @!p0 [sflag:s0], s1  }
0x2c: {  	s1 =	ssub.s32 @!p0 $0x0, s1;
	[sflag:s0] =	ssyncset.done @!p0 $0x0  }
0x2d: {  	[sflag:s0] =	ssyncadd.s32 @!p0 s1  }
0x2e: {  	[bflag:$0x3] =	sbarrier.arrive $0xFFFF  }
0x2f: {  	_ =	shalt  }

</sc_bundles>
